<compile_context>
chip_gen: v7x
topology: tpu7x:2x2x1
jax: 0.10.2.dev20260603
libtpu: 0.0.44.dev20260713+nightly
codegen_flags: <defaults>
</compile_context>

<pallas_src>
import functools

import jax
import jax.numpy as jnp
from jax import lax
from jax.experimental import pallas as pl
from jax.experimental.pallas import tpu as pltpu
from jax.experimental.pallas import tpu_sc as plsc

_NC, _NS, _L = 2, 16, 16
_NW = _NC * _NS
_R, _C, _K = 16384, 4096, 64
_ROWS_W = _R // _NW
_ELEMS_W = _ROWS_W * _K
_CHUNK_ROWS = 1
_CHUNK_E = _CHUNK_ROWS * _K
_N_CHUNKS = _ROWS_W // _CHUNK_ROWS

_mesh = plsc.VectorSubcoreMesh(core_axis_name="c", subcore_axis_name="s")


@functools.partial(
    pl.kernel,
    out_type=jax.ShapeDtypeStruct((_R, 128), jnp.float32),
    mesh=_mesh,
    scratch_types=[
        pltpu.VMEM((_K,), jnp.int32),
        pltpu.VMEM((_K,), jnp.int32),
        pltpu.VMEM((_ELEMS_W,), jnp.int32),
        pltpu.VMEM((_ROWS_W, 128), jnp.float32),
        pltpu.SemaphoreType.DMA,
    ],
)
def _gather_sc(in_hbm, idx_hbm, out_hbm, idx_v, colp_v, flat_v, vals_v, sem):
    wid = lax.axis_index("s") * _NC + lax.axis_index("c")
    base_row = wid * _ROWS_W
    pltpu.sync_copy(idx_hbm, idx_v)

    for v in range(_K // _L):
        vec = idx_v[pl.ds(v * _L, _L)]
        colp_v[pl.ds(v * _L, _L)] = (
            lax.shift_right_logical(vec, 7) * 1024 + lax.bitwise_and(vec, 127)
        )

    @pl.loop(0, _N_CHUNKS)
    def _chunk(t):
        e0 = t * _CHUNK_E
        row = base_row + t
        off = (lax.shift_right_logical(row, 3) * 32768
               + lax.bitwise_and(row, 7) * 128)
        for v in range(_K // _L):
            vec = colp_v[pl.ds(v * _L, _L)]
            flat_v[pl.ds(e0 + v * _L, _L)] = vec + off
        pltpu.async_copy(
            in_hbm.at[flat_v.at[pl.ds(e0, _CHUNK_E)]],
            vals_v.at[t, pl.ds(0, _K)],
            sem,
        )

    pltpu.make_async_copy(
        out_hbm.at[pl.ds(0, _ROWS_W // 2)], vals_v.at[pl.ds(0, _ROWS_W // 2)], sem
    ).wait()

    pltpu.sync_copy(vals_v, out_hbm.at[pl.ds(base_row, _ROWS_W)])


def kernel(inputs, indices):
    tiled = inputs.reshape(_R // 8, 8, _C // 128, 128).transpose(0, 2, 1, 3)
    out = _gather_sc(tiled.reshape(-1), indices)
    return out[:, :_K]

# --- scband reference (transcript-rebuilt; emitter-appended) ---
"""Pipeline reference for scband-gather-3375844294999 (READ-ONLY COPY).

The authoritative reference and input builder live on the scoring server;
editing this copy changes nothing except your own understanding.
"""

import jax, jax.numpy as jnp
import numpy as np


def setup_inputs(seed: int = 0) -> dict:
    key = jax.random.key(seed)
    k_inp, = jax.random.split(key, 1)
    inputs = jax.random.normal(k_inp, (16384, 4096), dtype=jnp.float32)
    # constructor-captured index tensor (constant, non-learned)
    indices = jnp.arange(0, 4096, 64, dtype=jnp.int32)  # 64 indices into axis=1
    return {"inputs": inputs, "indices": indices}


def reference(inputs, indices):
    # tf.gather(inputs, indices=self.indices, axis=1)
    return jnp.take(inputs, indices, axis=1)

if __name__ == "__main__":
    import jax
    _d = setup_inputs()
    print(jax.jit(kernel)(*tuple(_d.values())))

</pallas_src>

<mosaic_0001>
#map = affine_map<(d0, d1) -> (0)>
#map1 = affine_map<(d0, d1) -> (0, 0)>
module attributes {stable_mosaic.version = 14 : i64} {
  func.func @_gather_sc(%arg0: i32, %arg1: i32, %arg2: memref<67108864xf32, #tpu.memory_space<hbm>>, %arg3: memref<64xi32, #tpu.memory_space<hbm>>, %arg4: memref<16384x128xf32, #tpu.memory_space<hbm>>, %arg5: memref<64xi32, #tpu.memory_space<vmem>>, %arg6: memref<64xi32, #tpu.memory_space<vmem>>, %arg7: memref<32768xi32, #tpu.memory_space<vmem>>, %arg8: memref<512x128xf32, #tpu.memory_space<vmem>>, %arg9: memref<!tpu.dma_semaphore, #tpu.memory_space<semaphore_mem>>) attributes {dimension_semantics = [#tpu.dimension_semantics<core_parallel>, #tpu.dimension_semantics<subcore_parallel>], iteration_bounds = array<i64: 2, 16>, scalar_prefetch = 0 : i64, scratch_operands = 5 : i64, tpu.core_type = #tpu.core_type<sc_vector_subcore>, window_params = [{transform_indices = #map}, {transform_indices = #map}, {transform_indices = #map1}]} {
    %mul3A = arith.constant 2 : i32
    %mul3A_0 = arith.muli %arg1, %mul3A : i32
    %add3A = arith.addi %mul3A_0, %arg0 : i32
    %mul3A_1 = arith.constant 512 : i32
    %mul3A_2 = arith.muli %add3A, %mul3A_1 : i32
    "tpu.region"() ({
      %run_scoped3A = tpu.sem_alloc : memref<!tpu.dma_semaphore, #tpu.memory_space<semaphore_mem>>
      tpu.enqueue_dma source(%arg3 : memref<64xi32, #tpu.memory_space<hbm>>) target(%arg5 : memref<64xi32, #tpu.memory_space<vmem>>) target_semaphore(%run_scoped3A : memref<!tpu.dma_semaphore, #tpu.memory_space<semaphore_mem>>)
      tpu.wait_dma2 semaphore(%run_scoped3A : memref<!tpu.dma_semaphore, #tpu.memory_space<semaphore_mem>>) src(%arg3 : memref<64xi32, #tpu.memory_space<hbm>>) dst(%arg5 : memref<64xi32, #tpu.memory_space<vmem>>)
      tpu.yield
    }) : () -> ()
    %get3A = arith.constant 0 : index
    %get3A_3 = tpu.vector_load %arg5[%get3A] {strides = array<i32>} : memref<64xi32, #tpu.memory_space<vmem>>, vector<16xi32>,
    %get3A_4 = vector.shape_cast %get3A_3 : vector<16xi32> to vector<16xi32>
    %shift_right_logical3A = arith.constant 7 : i32
    %shift_right_logical3A_5 = vector.broadcast %shift_right_logical3A : i32 to vector<16xi32>
    %shift_right_logical3A_6 = arith.shrui %get3A_4, %shift_right_logical3A_5 : vector<16xi32>
    %mul3A_7 = arith.constant 1024 : i32
    %mul3A_8 = vector.broadcast %mul3A_7 : i32 to vector<16xi32>
    %mul3A_9 = arith.muli %shift_right_logical3A_6, %mul3A_8 : vector<16xi32>
    %and3A = arith.constant 127 : i32
    %and3A_10 = vector.broadcast %and3A : i32 to vector<16xi32>
    %and3A_11 = arith.andi %get3A_4, %and3A_10 : vector<16xi32>
    %add3A_12 = arith.addi %mul3A_9, %and3A_11 : vector<16xi32>
    %swap3A = arith.constant 0 : index
    %swap3A_13 = tpu.vector_load %arg6[%swap3A] {strides = array<i32>} : memref<64xi32, #tpu.memory_space<vmem>>, vector<16xi32>,
    %swap3A_14 = vector.shape_cast %swap3A_13 : vector<16xi32> to vector<16xi32>
    %swap3A_15 = vector.shape_cast %add3A_12 : vector<16xi32> to vector<16xi32>
    tpu.vector_store %arg6[%swap3A], %swap3A_15 {strides = array<i32>} : memref<64xi32, #tpu.memory_space<vmem>>, vector<16xi32>,
    %get3A_16 = arith.constant 16 : index
    %get3A_17 = tpu.vector_load %arg5[%get3A_16] {strides = array<i32>} : memref<64xi32, #tpu.memory_space<vmem>>, vector<16xi32>,
    %get3A_18 = vector.shape_cast %get3A_17 : vector<16xi32> to vector<16xi32>
    %shift_right_logical3A_19 = arith.constant 7 : i32
    %shift_right_logical3A_20 = vector.broadcast %shift_right_logical3A_19 : i32 to vector<16xi32>
    %shift_right_logical3A_21 = arith.shrui %get3A_18, %shift_right_logical3A_20 : vector<16xi32>
    %mul3A_22 = arith.constant 1024 : i32
    %mul3A_23 = vector.broadcast %mul3A_22 : i32 to vector<16xi32>
    %mul3A_24 = arith.muli %shift_right_logical3A_21, %mul3A_23 : vector<16xi32>
    %and3A_25 = arith.constant 127 : i32
    %and3A_26 = vector.broadcast %and3A_25 : i32 to vector<16xi32>
    %and3A_27 = arith.andi %get3A_18, %and3A_26 : vector<16xi32>
    %add3A_28 = arith.addi %mul3A_24, %and3A_27 : vector<16xi32>
    %swap3A_29 = arith.constant 16 : index
    %swap3A_30 = tpu.vector_load %arg6[%swap3A_29] {strides = array<i32>} : memref<64xi32, #tpu.memory_space<vmem>>, vector<16xi32>,
    %swap3A_31 = vector.shape_cast %swap3A_30 : vector<16xi32> to vector<16xi32>
    %swap3A_32 = vector.shape_cast %add3A_28 : vector<16xi32> to vector<16xi32>
    tpu.vector_store %arg6[%swap3A_29], %swap3A_32 {strides = array<i32>} : memref<64xi32, #tpu.memory_space<vmem>>, vector<16xi32>,
    %get3A_33 = arith.constant 32 : index
    %get3A_34 = tpu.vector_load %arg5[%get3A_33] {strides = array<i32>} : memref<64xi32, #tpu.memory_space<vmem>>, vector<16xi32>,
    %get3A_35 = vector.shape_cast %get3A_34 : vector<16xi32> to vector<16xi32>
    %shift_right_logical3A_36 = arith.constant 7 : i32
    %shift_right_logical3A_37 = vector.broadcast %shift_right_logical3A_36 : i32 to vector<16xi32>
    %shift_right_logical3A_38 = arith.shrui %get3A_35, %shift_right_logical3A_37 : vector<16xi32>
    %mul3A_39 = arith.constant 1024 : i32
    %mul3A_40 = vector.broadcast %mul3A_39 : i32 to vector<16xi32>
    %mul3A_41 = arith.muli %shift_right_logical3A_38, %mul3A_40 : vector<16xi32>
    %and3A_42 = arith.constant 127 : i32
    %and3A_43 = vector.broadcast %and3A_42 : i32 to vector<16xi32>
    %and3A_44 = arith.andi %get3A_35, %and3A_43 : vector<16xi32>
    %add3A_45 = arith.addi %mul3A_41, %and3A_44 : vector<16xi32>
    %swap3A_46 = arith.constant 32 : index
    %swap3A_47 = tpu.vector_load %arg6[%swap3A_46] {strides = array<i32>} : memref<64xi32, #tpu.memory_space<vmem>>, vector<16xi32>,
    %swap3A_48 = vector.shape_cast %swap3A_47 : vector<16xi32> to vector<16xi32>
    %swap3A_49 = vector.shape_cast %add3A_45 : vector<16xi32> to vector<16xi32>
    tpu.vector_store %arg6[%swap3A_46], %swap3A_49 {strides = array<i32>} : memref<64xi32, #tpu.memory_space<vmem>>, vector<16xi32>,
    %get3A_50 = arith.constant 48 : index
    %get3A_51 = tpu.vector_load %arg5[%get3A_50] {strides = array<i32>} : memref<64xi32, #tpu.memory_space<vmem>>, vector<16xi32>,
    %get3A_52 = vector.shape_cast %get3A_51 : vector<16xi32> to vector<16xi32>
    %shift_right_logical3A_53 = arith.constant 7 : i32
    %shift_right_logical3A_54 = vector.broadcast %shift_right_logical3A_53 : i32 to vector<16xi32>
    %shift_right_logical3A_55 = arith.shrui %get3A_52, %shift_right_logical3A_54 : vector<16xi32>
    %mul3A_56 = arith.constant 1024 : i32
    %mul3A_57 = vector.broadcast %mul3A_56 : i32 to vector<16xi32>
    %mul3A_58 = arith.muli %shift_right_logical3A_55, %mul3A_57 : vector<16xi32>
    %and3A_59 = arith.constant 127 : i32
    %and3A_60 = vector.broadcast %and3A_59 : i32 to vector<16xi32>
    %and3A_61 = arith.andi %get3A_52, %and3A_60 : vector<16xi32>
    %add3A_62 = arith.addi %mul3A_58, %and3A_61 : vector<16xi32>
    %swap3A_63 = arith.constant 48 : index
    %swap3A_64 = tpu.vector_load %arg6[%swap3A_63] {strides = array<i32>} : memref<64xi32, #tpu.memory_space<vmem>>, vector<16xi32>,
    %swap3A_65 = vector.shape_cast %swap3A_64 : vector<16xi32> to vector<16xi32>
    %swap3A_66 = vector.shape_cast %add3A_62 : vector<16xi32> to vector<16xi32>
    tpu.vector_store %arg6[%swap3A_63], %swap3A_66 {strides = array<i32>} : memref<64xi32, #tpu.memory_space<vmem>>, vector<16xi32>,
    %scan3A = arith.constant 0 : i32
    %scan3A_67 = arith.constant 512 : i32
    %scan3A_68 = arith.addi %scan3A, %scan3A_67 : i32
    %scan3A_69 = arith.constant 1 : i32
    scf.for %scan3A_82 = %scan3A to %scan3A_68 step %scan3A_69  : i32 {
      %mul3A_83 = arith.constant 1 : i32
      %mul3A_84 = arith.muli %scan3A_82, %mul3A_83 : i32
      %add3A_85 = arith.constant 0 : i32
      %add3A_86 = arith.addi %add3A_85, %mul3A_84 : i32
      %mul3A_87 = arith.constant 64 : i32
      %mul3A_88 = arith.muli %add3A_86, %mul3A_87 : i32
      %add3A_89 = arith.addi %mul3A_2, %add3A_86 : i32
      %shift_right_logical3A_90 = arith.constant 3 : i32
      %shift_right_logical3A_91 = arith.shrui %add3A_89, %shift_right_logical3A_90 : i32
      %mul3A_92 = arith.constant 32768 : i32
      %mul3A_93 = arith.muli %shift_right_logical3A_91, %mul3A_92 : i32
      %and3A_94 = arith.constant 7 : i32
      %and3A_95 = arith.andi %add3A_89, %and3A_94 : i32
      %mul3A_96 = arith.constant 128 : i32
      %mul3A_97 = arith.muli %and3A_95, %mul3A_96 : i32
      %add3A_98 = arith.addi %mul3A_93, %mul3A_97 : i32
      %get3A_99 = arith.constant 0 : index
      %get3A_100 = tpu.vector_load %arg6[%get3A_99] {strides = array<i32>} : memref<64xi32, #tpu.memory_space<vmem>>, vector<16xi32>,
      %get3A_101 = vector.shape_cast %get3A_100 : vector<16xi32> to vector<16xi32>
      %add3A_102 = vector.broadcast %add3A_98 : i32 to vector<16xi32>
      %add3A_103 = arith.addi %get3A_101, %add3A_102 : vector<16xi32>
      %add3A_104 = arith.constant 0 : i32
      %add3A_105 = arith.addi %mul3A_88, %add3A_104 : i32
      %swap3A_106 = arith.index_cast %add3A_105 : i32 to index
      %swap3A_107 = tpu.vector_load %arg7[%swap3A_106] {strides = array<i32>} : memref<32768xi32, #tpu.memory_space<vmem>>, vector<16xi32>,
      %swap3A_108 = vector.shape_cast %swap3A_107 : vector<16xi32> to vector<16xi32>
      %swap3A_109 = vector.shape_cast %add3A_103 : vector<16xi32> to vector<16xi32>
      tpu.vector_store %arg7[%swap3A_106], %swap3A_109 {strides = array<i32>} : memref<32768xi32, #tpu.memory_space<vmem>>, vector<16xi32>,
      %get3A_110 = arith.constant 16 : index
      %get3A_111 = tpu.vector_load %arg6[%get3A_110] {strides = array<i32>} : memref<64xi32, #tpu.memory_space<vmem>>, vector<16xi32>,
      %get3A_112 = vector.shape_cast %get3A_111 : vector<16xi32> to vector<16xi32>
      %add3A_113 = vector.broadcast %add3A_98 : i32 to vector<16xi32>
      %add3A_114 = arith.addi %get3A_112, %add3A_113 : vector<16xi32>
      %add3A_115 = arith.constant 16 : i32
      %add3A_116 = arith.addi %mul3A_88, %add3A_115 : i32
      %swap3A_117 = arith.index_cast %add3A_116 : i32 to index
      %swap3A_118 = tpu.vector_load %arg7[%swap3A_117] {strides = array<i32>} : memref<32768xi32, #tpu.memory_space<vmem>>, vector<16xi32>,
      %swap3A_119 = vector.shape_cast %swap3A_118 : vector<16xi32> to vector<16xi32>
      %swap3A_120 = vector.shape_cast %add3A_114 : vector<16xi32> to vector<16xi32>
      tpu.vector_store %arg7[%swap3A_117], %swap3A_120 {strides = array<i32>} : memref<32768xi32, #tpu.memory_space<vmem>>, vector<16xi32>,
      %get3A_121 = arith.constant 32 : index
      %get3A_122 = tpu.vector_load %arg6[%get3A_121] {strides = array<i32>} : memref<64xi32, #tpu.memory_space<vmem>>, vector<16xi32>,
      %get3A_123 = vector.shape_cast %get3A_122 : vector<16xi32> to vector<16xi32>
      %add3A_124 = vector.broadcast %add3A_98 : i32 to vector<16xi32>
      %add3A_125 = arith.addi %get3A_123, %add3A_124 : vector<16xi32>
      %add3A_126 = arith.constant 32 : i32
      %add3A_127 = arith.addi %mul3A_88, %add3A_126 : i32
      %swap3A_128 = arith.index_cast %add3A_127 : i32 to index
      %swap3A_129 = tpu.vector_load %arg7[%swap3A_128] {strides = array<i32>} : memref<32768xi32, #tpu.memory_space<vmem>>, vector<16xi32>,
      %swap3A_130 = vector.shape_cast %swap3A_129 : vector<16xi32> to vector<16xi32>
      %swap3A_131 = vector.shape_cast %add3A_125 : vector<16xi32> to vector<16xi32>
      tpu.vector_store %arg7[%swap3A_128], %swap3A_131 {strides = array<i32>} : memref<32768xi32, #tpu.memory_space<vmem>>, vector<16xi32>,
      %get3A_132 = arith.constant 48 : index
      %get3A_133 = tpu.vector_load %arg6[%get3A_132] {strides = array<i32>} : memref<64xi32, #tpu.memory_space<vmem>>, vector<16xi32>,
      %get3A_134 = vector.shape_cast %get3A_133 : vector<16xi32> to vector<16xi32>
      %add3A_135 = vector.broadcast %add3A_98 : i32 to vector<16xi32>
      %add3A_136 = arith.addi %get3A_134, %add3A_135 : vector<16xi32>
      %add3A_137 = arith.constant 48 : i32
      %add3A_138 = arith.addi %mul3A_88, %add3A_137 : i32
      %swap3A_139 = arith.index_cast %add3A_138 : i32 to index
      %swap3A_140 = tpu.vector_load %arg7[%swap3A_139] {strides = array<i32>} : memref<32768xi32, #tpu.memory_space<vmem>>, vector<16xi32>,
      %swap3A_141 = vector.shape_cast %swap3A_140 : vector<16xi32> to vector<16xi32>
      %swap3A_142 = vector.shape_cast %add3A_136 : vector<16xi32> to vector<16xi32>
      tpu.vector_store %arg7[%swap3A_139], %swap3A_142 {strides = array<i32>} : memref<32768xi32, #tpu.memory_space<vmem>>, vector<16xi32>,
      %dma_start3A = arith.constant 0 : i32
      %dma_start3A_143 = tpu.memref_slice %arg8[%add3A_86, %dma_start3A] : memref<512x128xf32, #tpu.memory_space<vmem>> -> memref<1x64xf32, #tpu.memory_space<vmem>>
      %dma_start3A_144 = tpu.memref_squeeze %dma_start3A_143 : memref<1x64xf32, #tpu.memory_space<vmem>> -> memref<64xf32, #tpu.memory_space<vmem>>
      %dma_start3A_145 = tpu.memref_slice %arg7[%mul3A_88] : memref<32768xi32, #tpu.memory_space<vmem>> -> memref<64xi32, #tpu.memory_space<vmem>>
      %dma_start3A_146 = arith.constant 0 : i32
      %dma_start3A_147 = tpu.memref_slice %arg2[%dma_start3A_146] : memref<67108864xf32, #tpu.memory_space<hbm>> -> memref<67108864xf32, #tpu.memory_space<hbm>>
      tpu.enqueue_indirect_dma source(%dma_start3A_147 : memref<67108864xf32, #tpu.memory_space<hbm>>) target(%dma_start3A_144 : memref<64xf32, #tpu.memory_space<vmem>>) offsets(%dma_start3A_145 : memref<64xi32, #tpu.memory_space<vmem>>) semaphore(%arg9 : memref<!tpu.dma_semaphore, #tpu.memory_space<semaphore_mem>>)
    }
    %scan3A_70 = arith.constant 512 : i32
    %dma_wait3A = arith.constant 0 : i32
    %dma_wait3A_71 = arith.constant 0 : i32
    %dma_wait3A_72 = tpu.memref_slice %arg8[%dma_wait3A, %dma_wait3A_71] : memref<512x128xf32, #tpu.memory_space<vmem>> -> memref<256x128xf32, #tpu.memory_space<vmem>>
    %dma_wait3A_73 = arith.constant 0 : i32
    %dma_wait3A_74 = arith.constant 0 : i32
    %dma_wait3A_75 = tpu.memref_slice %arg4[%dma_wait3A_73, %dma_wait3A_74] : memref<16384x128xf32, #tpu.memory_space<hbm>> -> memref<256x128xf32, #tpu.memory_space<hbm>>
    %dma_wait3A_76 = arith.constant 0 : i32
    %dma_wait3A_77 = arith.constant 0 : i32
    %dma_wait3A_78 = tpu.memref_slice %arg8[%dma_wait3A_76, %dma_wait3A_77] : memref<512x128xf32, #tpu.memory_space<vmem>> -> memref<256x128xf32, #tpu.memory_space<vmem>>
    %dma_wait3A_79 = arith.constant 0 : i32
    %dma_wait3A_80 = arith.constant 0 : i32
    %dma_wait3A_81 = tpu.memref_slice %arg4[%dma_wait3A_79, %dma_wait3A_80] : memref<16384x128xf32, #tpu.memory_space<hbm>> -> memref<256x128xf32, #tpu.memory_space<hbm>>
    tpu.wait_dma2 semaphore(%arg9 : memref<!tpu.dma_semaphore, #tpu.memory_space<semaphore_mem>>) src(%dma_wait3A_81 : memref<256x128xf32, #tpu.memory_space<hbm>>) dst(%dma_wait3A_78 : memref<256x128xf32, #tpu.memory_space<vmem>>)
    "tpu.region"() ({
      %run_scoped3A = tpu.sem_alloc : memref<!tpu.dma_semaphore, #tpu.memory_space<semaphore_mem>>
      %dma_start3A = arith.constant 0 : i32
      %dma_start3A_82 = tpu.memref_slice %arg4[%mul3A_2, %dma_start3A] : memref<16384x128xf32, #tpu.memory_space<hbm>> -> memref<512x128xf32, #tpu.memory_space<hbm>>
      %dma_start3A_83 = arith.constant 0 : i32
      %dma_start3A_84 = tpu.memref_slice %arg4[%mul3A_2, %dma_start3A_83] : memref<16384x128xf32, #tpu.memory_space<hbm>> -> memref<512x128xf32, #tpu.memory_space<hbm>>
      tpu.enqueue_dma source(%arg8 : memref<512x128xf32, #tpu.memory_space<vmem>>) target(%dma_start3A_84 : memref<512x128xf32, #tpu.memory_space<hbm>>) target_semaphore(%run_scoped3A : memref<!tpu.dma_semaphore, #tpu.memory_space<semaphore_mem>>)
      %dma_wait3A_85 = arith.constant 0 : i32
      %dma_wait3A_86 = tpu.memref_slice %arg4[%mul3A_2, %dma_wait3A_85] : memref<16384x128xf32, #tpu.memory_space<hbm>> -> memref<512x128xf32, #tpu.memory_space<hbm>>
      %dma_wait3A_87 = arith.constant 0 : i32
      %dma_wait3A_88 = tpu.memref_slice %arg4[%mul3A_2, %dma_wait3A_87] : memref<16384x128xf32, #tpu.memory_space<hbm>> -> memref<512x128xf32, #tpu.memory_space<hbm>>
      tpu.wait_dma2 semaphore(%run_scoped3A : memref<!tpu.dma_semaphore, #tpu.memory_space<semaphore_mem>>) src(%arg8 : memref<512x128xf32, #tpu.memory_space<vmem>>) dst(%dma_wait3A_88 : memref<512x128xf32, #tpu.memory_space<hbm>>)
      tpu.yield
    }) : () -> ()
    return
  }
}

</mosaic_0001>

<sc_bundles>
// kernel: kernel.3.cloned.1.call-start
scs
__scs_entry_jumppad:
0x0: {  	(pc) =	sbr.rel $0x88, $3  }
0x1: {  	(tag) =	ssettag $0x0;
	lr =	simm.s32 $0x1  }
0x2: {  	[smem:$0x3F9F] =	sst lr;
	_ =	strace $0xD0000000  }
0x3: {  	_ = 	snop  }
0x4: {  	_ = 	snop  }
0x5: {  	_ = 	snop  }
0x6: {  	_ = 	snop  }
0x7: {  	_ = 	snop  }
__scs_overlays_trampoline_lowered:
0x8: {  	[smem:$0x3FAE] =	sst s0  }
0x9: {  	[smem:$0x3FAF] =	sst s1  }
0xa: {  	[smem:$0x3FB0] =	sst s2  }
0xb: {  	[smem:$0x3FB1] =	sst s3  }
0xc: {  	[smem:$0x3FB2] =	sst s4  }
0xd: {  	[smem:$0x3FB3] =	sst s5  }
0xe: {  	[smem:$0x3FB4] =	sst s6  }
0xf: {  	[smem:$0x3FB5] =	sst s7  }
0x10: {  	[smem:$0x3FB6] =	sst s8  }
0x11: {  	[smem:$0x3FB7] =	sst s9;
	s0 =	simm.s32 @!p0 $0x0  }
0x12: {  	s1 =	sld [smem:$0x3F9D];
	s0 =	simm.s32 @p0 $0x1  }
0x13: {  	[smem:$0x3FB8] =	sst s0;
	s0 =	simm.s32 @!p1 $0x0  }
0x14: {  	s2 =	sld [smem:$0x3F9C];
	s0 =	simm.s32 @p1 $0x1  }
0x15: {  	[smem:$0x3FB9] =	sst s0;
	s0 =	simm.s32 @!p2 $0x0  }
0x16: {  	s3 =	sld [smem:$0x3FDB];
	s0 =	simm.s32 @p2 $0x1  }
0x17: {  	s4 =	simm.s32 $0x1BF5;
	[smem:$0x3FBB] =	sst s0  }
0x18: {  	s0 =	sld [smem:$0x3F9E];
	_ =	swait.ge [sflag:s4], $0x0  }
0x19: {  	s7 =	sld [smem:$0x3F9F]  }
0x1a: {  	s8 =	sadd.s32 $0xFFFFE003, lr  }
0x1b: {  	s9 =	sadd.s32 $0xFFFFFEF7, lr;
	s5 =	simm.s32 $0xFFFFFFFF;
	p2 =	slt.u32 s8, $0xFFFFF086  }
0x1c: {  	p1 =	slt.u32 s9, $0xF7A;
	s5 =	simm.s32 @!p2 $0x0  }
0x1d: {  	s5 =	simm.s32 @p1 $0x1;
	p0 =	seq.s32 s7, s2  }
0x1e: {  	s7 =	smul.u32 @!p0 $0xF7A, s2;
	p2 =	seq.s32 @!p0 s5, $0x0  }
0x1f: {  	s9 =	smul.u32 $0xF7A, s1;
	s8 =	simm.s32 @!p0 $0x1BF5;
	p2 =	por !p2, p0  }
0x20: {  	[sflag:s8] =	ssyncset.s32 @!p0 $0xFFFFF086;
	s6 =	sadd.s32 @!p0 s3, s7;
	s7 =	simm.s32 @!p0 $0x108  }
0x21: {  	s3 =	sadd.s32 s3, s9;
	s6 =	sadd.s32 @!p0 $0x88, s6;
	s7 =	simm.s32 @p2 $0x1082  }
0x22: {  	[simem:s7], [sflag:s8] =	dma.local @!p0 [hbm:s6], $0xF7A  }
0x23: {  	s9 =	sor.u32 $0xD0000000, s2;
	s6 =	simm.s32 $0x108;
	_ =	swait.ge @!p0 [sflag:s8], $0x0  }
0x24: {  	s3 =	sadd.s32 $0x88, s3;
	s6 =	simm.s32 @!p1 $0x1082;
	[sflag:s4] =	ssyncset.s32 $0xFFFFF086  }
0x25: {  	[simem:s6], [sflag:s4] =	dma.local [hbm:s3], $0xF7A  }
0x26: {  	[smem:$0x3F9F] =	sst s1;
	(tag) =	ssettag s2;
	_ =	strace s9  }
0x27: {  	s1 =	sld [smem:$0x3FAF]  }
0x28: {  	s2 =	sld [smem:$0x3FB0]  }
0x29: {  	s4 =	sld [smem:$0x3FB2]  }
0x2a: {  	p0 =	seq.s32 s5, $0x0;
	s5 =	sld [smem:$0x3FB3]  }
0x2b: {  	s6 =	sld [smem:$0x3FB4]  }
0x2c: {  	s7 =	sld [smem:$0x3FB5]  }
0x2d: {  	s3 =	simm.s32 $0x108;
	s8 =	sld [smem:$0x3FB6]  }
0x2e: {  	s3 =	simm.s32 @!p0 $0x1082;
	s9 =	sld [smem:$0x3FB7]  }
0x2f: {  	lr =	sadd.s32 s0, s3;
	s0 =	sld [smem:$0x3FAE]  }
0x30: {  	s3 =	sld [smem:$0x3FB1]  }
0x31: {  	[smem:$0x3FBA] =	sst s10  }
0x32: {  	s10 =	sld [smem:$0x3FB8];
	_ =	sdelay $0x3  }
0x33: {  	p0 =	seq.s32 s10, $0x1;
	s10 =	sld [smem:$0x3FBA];
	_ =	sdelay $0x3  }
0x34: {  	[smem:$0x3FBA] =	sst s10  }
0x35: {  	s10 =	sld [smem:$0x3FB9];
	_ =	sdelay $0x3  }
0x36: {  	p1 =	seq.s32 s10, $0x1;
	s10 =	sld [smem:$0x3FBA];
	_ =	sdelay $0x3  }
0x37: {  	[smem:$0x3FBA] =	sst s10  }
0x38: {  	s10 =	sld [smem:$0x3FBB]  }
0x39: {  	_ = 	snop;
	(pc) =	sbr.ind lr, $3  }
0x3a: {  	_ = 	snop  }
0x3b: {  	_ = 	snop  }
0x3c: {  	p2 =	seq.s32 s10, $0x1;
	s10 =	sld [smem:$0x3FBA]  }
0x3d: {  	_ =	shalt  }
0x3e: {  	_ =	shalt  }
0x3f: {  	_ =	shalt  }
0x40: {  	_ =	shalt  }
0x41: {  	_ =	shalt  }
0x42: {  	_ =	shalt  }
0x43: {  	_ =	shalt  }
0x44: {  	_ =	shalt  }
0x45: {  	_ =	shalt  }
0x46: {  	_ =	shalt  }
0x47: {  	_ =	shalt  }
0x48: {  	_ =	shalt  }
0x49: {  	_ =	shalt  }
0x4a: {  	_ =	shalt  }
0x4b: {  	_ =	shalt  }
0x4c: {  	_ =	shalt  }
0x4d: {  	_ =	shalt  }
0x4e: {  	_ =	shalt  }
0x4f: {  	_ =	shalt  }
0x50: {  	_ =	shalt  }
0x51: {  	_ =	shalt  }
0x52: {  	_ =	shalt  }
0x53: {  	_ =	shalt  }
0x54: {  	_ =	shalt  }
0x55: {  	_ =	shalt  }
0x56: {  	_ =	shalt  }
0x57: {  	_ =	shalt  }
0x58: {  	_ =	shalt  }
0x59: {  	_ =	shalt  }
0x5a: {  	_ =	shalt  }
0x5b: {  	_ =	shalt  }
0x5c: {  	_ =	shalt  }
0x5d: {  	_ =	shalt  }
0x5e: {  	_ =	shalt  }
0x5f: {  	_ =	shalt  }
0x60: {  	_ =	shalt  }
0x61: {  	_ =	shalt  }
0x62: {  	_ =	shalt  }
0x63: {  	_ =	shalt  }
0x64: {  	_ =	shalt  }
0x65: {  	_ =	shalt  }
0x66: {  	_ =	shalt  }
0x67: {  	_ =	shalt  }
0x68: {  	_ =	shalt  }
0x69: {  	_ =	shalt  }
0x6a: {  	_ =	shalt  }
0x6b: {  	_ =	shalt  }
0x6c: {  	_ =	shalt  }
0x6d: {  	_ =	shalt  }
0x6e: {  	_ =	shalt  }
0x6f: {  	_ =	shalt  }
0x70: {  	_ =	shalt  }
0x71: {  	_ =	shalt  }
0x72: {  	_ =	shalt  }
0x73: {  	_ =	shalt  }
0x74: {  	_ =	shalt  }
0x75: {  	_ =	shalt  }
0x76: {  	_ =	shalt  }
0x77: {  	_ =	shalt  }
0x78: {  	_ =	shalt  }
0x79: {  	_ =	shalt  }
0x7a: {  	_ =	shalt  }
0x7b: {  	_ =	shalt  }
0x7c: {  	_ =	shalt  }
0x7d: {  	_ =	shalt  }
0x7e: {  	_ =	shalt  }
0x7f: {  	_ =	shalt  }
0x80: {  	_ =	shalt  }
0x81: {  	_ =	shalt  }
0x82: {  	_ =	shalt  }
0x83: {  	_ =	shalt  }
0x84: {  	_ =	shalt  }
0x85: {  	_ =	shalt  }
0x86: {  	_ =	shalt  }
0x87: {  	_ =	shalt  }
.Lfunc_end0:
.L_simem_size_0:
called_computation_lowered:
.L_overlay_start_0:
0x88: {  	s2 =	sld [smem:$0x3FD9]  }
0x89: {  	s3 =	sld [smem:$0x3FFE];
	_ =	sdelay $0x1  }
0x8a: {  	s1 =	srdreg.scid  }
0x8b: {  	s0 =	sand.u32 $0x1, s1  }
0x8c: {  	s17 =	sshll.u32 s0, $0xA;
	s2 =	sadd.s32 s3, s2  }
0x8d: {  	s2 =	sadd.s32 s2, s17  }
0x8e: {  	[smem:$0x3FC6] =	sst s2  }
0x8f: {  	_ = 	snop  }
0x90: {  	s2 =	sld [smem:$0x3FC9]  }
0x91: {  	s18 =	sld [smem:$0x3FC8];
	(tm) =	ssettm $0x1  }
0x92: {  	s4 =	sld [smem:$0x3FFB];
	_ =	sdelay $0x3  }
0x93: {  	_ =	strace s4  }
0x94: {  	s4 =	sld [smem:$0x3FFC];
	_ =	sdelay $0x3  }
0x95: {  	_ =	strace s4  }
0x96: {  	s4 =	sld [smem:$0x3FFD];
	_ =	sdelay $0x3  }
0x97: {  	_ =	strace s4  }
0x98: {  	_ =	strace $0x8FFFFFFF  }
0x99: {  	s19 =	sld [smem:$0x3FDB];
	_ =	sdelay $0x1  }
0x9a: {  	s5 =	simm.s32 $_scs_section_size  }
0x9b: {  	s6 =	simm.s32 $_size__tile_overlayer_lowered;
	s7 =	simm.s32 $_tile_overlayer_lowered  }
0x9c: {  	s22 =	simm.s32 $0x1BFF;
	s21 =	sshll.u32 s7, $0x1;
	s4 =	sadd.s32 s5, s19  }
0x9d: {  	s8 =	simm.s32 $0x0;
	s20 =	sshll.u32 s6, $0x1;
	s6 =	sadd.s32 s21, s4  }
0x9e: {  	[timem:s8], [sflag:s22] =	dma.local [hbm:s6], s20  }
0x9f: {  	_ =	swait.ge [sflag:s22], s20  }
0xa0: {  	s5 =	ssub.s32 $0x0, s20;
	[sflag:s22] =	ssyncset.done $0x0  }
0xa1: {  	[sflag:s22] =	ssyncadd.s32 s5;
	_ =	sdelay $0x1  }
0xa2: {  	s23 =	simm.s32 $0x1B8B  }
0xa3: {  	_ =	swait.ge [sflag:s23], $0x1  }
0xa4: {  	[sflag:s23] =	ssyncset.done $0x0  }
0xa5: {  	s25 =	simm.s32 $0x1B8E;
	s24 =	sld [smem:$0x3FFE];
	[sflag:s23] =	ssyncadd.s32 $0xFFFFFFFF  }
0xa6: {  	s26 =	simm.s32 $execute0_lowered;
	[smem:$0x3FD2] =	sst s25  }
0xa7: {  	s6 =	sshll.u32 s26, $0x1;
	_ =	strace $0x80000046;
	[dreg:$0x1] =	wrdreg $0xFFFFFFFF  }
0xa8: {  	s28 =	simm.s32 $_size_execute0_lowered;
	s4 =	sadd.s32 s4, s6;
	[dreg:$0x0] =	wrdreg $0x0  }
0xa9: {  	s6 =	sshll.u32 s28, $0x1;
	[dreg:$0x2] =	wrdreg s4  }
0xaa: {  	[dreg:$0x3] =	wrdreg s6  }
0xab: {  	[dreg:$0x4] =	wrdreg $0xC0  }
0xac: {  	_ =	task [dreg:s8], $0x5FFFF  }
0xad: {  	[dreg:$0x1] =	wrdreg $0xFFFFFFFF  }
0xae: {  	[dreg:$0x0] =	wrdreg $0x60  }
0xaf: {  	[dreg:$0x2] =	wrdreg s2  }
0xb0: {  	[dreg:$0x3] =	wrdreg s18  }
0xb1: {  	[dreg:$0x4] =	wrdreg s24  }
0xb2: {  	[dreg:$0x5] =	wrdreg $0x9  }
0xb3: {  	_ =	task.clear_ibuf [dreg:s8], $0x6FFFF;
	_ =	strace $0x90000046  }
0xb4: {  	s29 =	simm.s32 $0x9;
	_ =	strace $0x80000048  }
0xb5: {  	_ =	swait.ge [sflag:s29], $0x1  }
0xb6: {  	[sflag:s29] =	ssyncadd.s32 $0xFFFFFFFF  }
0xb7: {  	_ =	strace $0x90000048  }
0xb8: {  	_ =	sfence  }
0xb9: {  	s30 =	sld [smem:$0x0];
	_ =	sdelay $0x2  }
0xba: {  	s31 =	sshll.u32 s1, $0xD;
	s1 =	sshrl.u32 s1, $0x2  }
0xbb: {  	s3 =	sand.u32 $0x4000, s31;
	s1 =	sadd.s32 s1, s30  }
0xbc: {  	s0 =	sor.u32 s3, s0;
	s1 =	sshll.u32 s1, $0x11  }
0xbd: {  	s0 =	sor.u32 s1, s0  }
0xbe: {  	s0 =	sadd.s32 $0x8F2B, s0  }
0xbf: {  	[sflag:s0] =	ssyncadd.remote.s32 $0x1  }
0xc0: {  	_ =	sfence.sel $0xFFFF  }
0xc1: {  	[dreg:$0x0] =	wrdreg $0xFFFFFFFF;
	(pc) =	sbr.abs _section_cstart, $3  }
0xc2: {  	[dreg:$0x1] =	wrdreg $0xFFFFFFFF  }
0xc3: {  	_ =	task.clear_ibuf [dreg:s8], $0x2FFFF;
	_ =	strace $0x9FFFFFFF  }
0xc4: {  	(tm) =	ssettm $0x7FFFFFFF  }
0xc5: {  	_ =	shalt  }
tec
execute0_lowered:
.L_overlay_start_1:
0x0: {  	(tag) =	ssettag $0x1  }
0x1: {  	s2 =	rddreg [dreg:$0x0]  }
0x2: {  	s3 =	rddreg [dreg:$0x1];
	s0 =	srdreg.scid  }
0x3: {  	s5 =	rddreg [dreg:$0x2];
	s1 =	stileid.u32;
	s4 =	simm.s32 $0x0  }
0x4: {  	s9 =	simm.s32 $0x40;
	s10 =	simm.s32 $0x1;
	s11 =	simm.s32 $0x8100  }
0x5: {  	s12 =	simm.s32 $0x0;
	s7 =	sand.u32 $0x1, s0;
	s0 =	rddreg [dreg:$0x3]  }
0x6: {  	s6 =	sshll.u32 s1, $0xE;
	[smem:$0x7FF] =	sst s4;
	s31 =	sshll.u32 s1, $0x16  }
0x7: {  	s8 =	sshll.u32 s7, $0xD;
	s29 =	ssub.s32 $0x2, s7;
	_ =	strace $0x80000047  }
0x8: {  	s7 =	sshll.u32 s7, $0x15;
	s6 =	sor.u32 s8, s6;
	s30 =	sshrl.u32 s29, $0x1  }
0x9: {  	s7 =	sor.u32 s7, s31;
	s5 =	sadd.s32 s6, s5;
	s6 =	ssub.s32 s29, s30  }
0xa: {  	s8 =	simm.s32 $0x2;
	s5 =	sadd.s32 $0x400, s5;
	s6 =	smax.u32 s6, $0x1  }
.LBB2_1:
0xb: {  	[tilespmem:s4], [sflag:$0x2] =	stream.linear.gather [hbm4b:s3+s4], $0x80, $0x38;
	[tilespmem:$0x18100] =	vst v63  }
0xc: {  	_ =	swait.ge [sflag:s8], $0x80  }
0xd: {  	[sflag:s8] =	ssyncset.done $0x0  }
0xe: {  	[sflag:s8] =	ssyncadd.s32 $0xFFFFFF80  }
0xf: {  	v0 =	vld [tilespmem:$0x0];
	_ =	sdelay $0x2  }
0x10: {  	v1 =	vld [tilespmem:$0x10]  }
0x11: {  	v4 =	vld [tilespmem:$0x30]  }
0x12: {  	v2 =	vshll.u32 v0, $0x3  }
0x13: {  	v3 =	vld [tilespmem:$0x20];
	v0 =	vand.u32 $0x7F, v0;
	v2 =	vand.u32 $0xFFFFFC00, v2  }
0x14: {  	v0 =	vor.u32 v0, v2  }
0x15: {  	[tilespmem:$0x80] =	vst v0  }
0x16: {  	v56 =	vshll.u32 v1, $0x3;
	v5 =	vshll.u32 v4, $0x3;
	v57 =	vld [tilespmem:$0x80]  }
0x17: {  	v1 =	vand.u32 $0x7F, v1;
	v61 =	vand.u32 $0x7F, v4;
	v60 =	vand.u32 $0xFFFFFC00, v5  }
0x18: {  	v58 =	vshll.u32 v3, $0x3;
	v62 =	vor.u32 v61, v60;
	v0 =	vand.u32 $0xFFFFFC00, v56  }
0x19: {  	s13 =	sand.u32 $0x3FF8000, s7;
	s14 =	sand.u32 $0x380, s4;
	v3 =	vand.u32 $0x7F, v3;
	[tilespmem:$0xB0] =	vst v62;
	v0 =	vor.u32 v1, v0;
	v1 =	vand.u32 $0xFFFFFC00, v58  }
0x1a: {  	s15 =	sor.u32 s14, s13;
	[tilespmem:$0x90] =	vst v0;
	v59 =	vor.u32 v3, v1  }
0x1b: {  	s13 =	simm.s32 $0x100;
	[tilespmem:$0xA0] =	vst v59;
	v63 =	vadd.s32 s15, v57  }
0x1c: {  	[tilespmem:s13+$0x0] =	vst v63  }
0x1d: {  	v0 =	vld [tilespmem:$0x90];
	_ =	sdelay $0x4  }
0x1e: {  	v0 =	vadd.s32 s15, v0  }
0x1f: {  	[tilespmem:s13+$0x10] =	vst v0  }
0x20: {  	v0 =	vld [tilespmem:$0xA0];
	_ =	sdelay $0x4  }
0x21: {  	v0 =	vadd.s32 s15, v0  }
0x22: {  	[tilespmem:s13+$0x20] =	vst v0  }
0x23: {  	v0 =	vld [tilespmem:$0xB0];
	_ =	sdelay $0x4  }
0x24: {  	s16 =	sadd.s32 $0x1000, s7;
	s17 =	simm.s32 $0x140;
	v0 =	vadd.s32 s15, v0  }
0x25: {  	s18 =	simm.s32 $0x8100;
	s14 =	simm.s32 $0x80;
	s15 =	simm.s32 $0x8180;
	[tilespmem:s13+$0x30] =	vst v0  }
.LBB2_2:
0x26: {  	[tilespmem:s18], [sflag:$0x1] =	stream.indirect.gather [hbm4b:s2+s9], $0x1, s13, s9, $0xb8;
	[tilespmem:$0x18100] =	vst v63  }
0x27: {  	p0 =	sne.s32 s14, $0xFF80;
	s19 =	smov.u32 s14;
	s14 =	sadd.s32 $0x80, s14;
	v0 =	vld [tilespmem:$0x80]  }
0x28: {  	s18 =	smov.u32 s15;
	s13 =	smov.u32 s17;
	_ =	sdelay $0x1  }
0x29: {  	s20 =	sand.u32 $0x3FF8000, s16;
	s19 =	sand.u32 $0x380, s19  }
0x2a: {  	s19 =	sor.u32 s19, s20  }
0x2b: {  	v0 =	vadd.s32 s19, v0  }
0x2c: {  	[tilespmem:s17+$0x0] =	vst v0  }
0x2d: {  	v0 =	vld [tilespmem:$0x90];
	_ =	sdelay $0x4  }
0x2e: {  	v0 =	vadd.s32 s19, v0  }
0x2f: {  	[tilespmem:s17+$0x10] =	vst v0  }
0x30: {  	v0 =	vld [tilespmem:$0xA0];
	_ =	sdelay $0x4  }
0x31: {  	v0 =	vadd.s32 s19, v0  }
0x32: {  	[tilespmem:s17+$0x20] =	vst v0  }
0x33: {  	v0 =	vld [tilespmem:$0xB0];
	_ =	sdelay $0x1  }
.Ltmp0:
0x34: {  	(pc) =	sbr.rel @p0 .LBB2_2-.Ltmp0, $3  }
0x35: {  	_ =	sdelay $0x1  }
0x36: {  	v0 =	vadd.s32 s19, v0  }
0x37: {  	s15 =	sadd.s32 $0x80, s15;
	s16 =	sadd.s32 $0x1000, s16;
	s17 =	sadd.s32 $0x40, s17;
	[tilespmem:s13+$0x30] =	vst v0  }
0x38: {  	[tilespmem:s18], [sflag:$0x1] =	stream.indirect.gather [hbm4b:s2+s9], $0x1, s13, s9, $0xb8;
	[tilespmem:$0x18100] =	vst v63  }
0x39: {  	s12 =	sadd.s32 $0x1, s12;
	_ =	swait.ge [sflag:s10], $0x8000  }
0x3a: {  	p0 =	sne.s32 s12, s6;
	[sflag:s10] =	ssyncset.done $0x0  }
.Ltmp1:
0x3b: {  	[sflag:s10] =	ssyncadd.s32 $0xFFFF8000;
	(pc) =	sbr.rel @p0 .LBB2_1-.Ltmp1, $4  }
0x3c: {  	[hbm4b:s5+s4] =	stream.linear.scatter [tilespmem:s11], [sflag:$0x2], $0x10000, $0x38;
	[tilespmem:$0x18100] =	vst v63  }
0x3d: {  	_ =	swait.ge [sflag:s8], $0x10000  }
0x3e: {  	[sflag:s8] =	ssyncset.done $0x0  }
0x3f: {  	[sflag:s8] =	ssyncadd.s32 $0xFFFF0000  }
0x40: {  	_ =	sfence.sel $0x180000  }
0x41: {  	[bflag:$0x0] =	sbarrier.arrive $0xFFFF  }
0x42: {  	p0 =	sne.s32 s1, $0x0;
	_ =	strace $0x90000047  }
0x43: {  	s0 =	sadd.s32 @!p0 $0x100000, s0;
	[bflag:$0x2] =	sbarrier.arrive $0xFFFF  }
0x44: {  	[sflag:s0] =	ssyncadd.tile.s32 @!p0 $0x1;
	_ =	shalt  }
.Lfunc_end2:
_tile_overlayer_lowered:
.L_overlay_start_2:
0x45: {  	(tag) =	ssettag $0x2  }
0x46: {  	s0 =	rddreg [dreg:$0x0];
	s2 =	stileid.u32  }
0x47: {  	s1 =	rddreg [dreg:$0x1];
	p0 =	sne.s32 s2, $0x0  }
0x48: {  	s3 =	rddreg [dreg:$0x2];
	[bflag:$0x3] =	sbarrier.arrive $0xFFFF;
	s2 =	simm.s32 @!p0 $0x1C02  }
0x49: {  	[timem:s3], [sflag:s2] =	dma.local @!p0 [hbm:s0], s1  }
0x4a: {  	s0 =	simm.s32 @!p0 $0x2  }
0x4b: {  	_ =	swait.ge @!p0 [sflag:s0], s1  }
0x4c: {  	s1 =	ssub.s32 @!p0 $0x0, s1;
	[sflag:s0] =	ssyncset.done @!p0 $0x0  }
0x4d: {  	[sflag:s0] =	ssyncadd.s32 @!p0 s1  }
0x4e: {  	[bflag:$0x3] =	sbarrier.arrive $0xFFFF  }
0x4f: {  	_ =	shalt  }

</sc_bundles>
